<compile_context>
chip_gen: v7x
topology: tpu7x:2x2x1
jax: 0.10.2.dev20260603
libtpu: 0.0.44.dev20260713+nightly
codegen_flags: <defaults>
</compile_context>

<pallas_src>
import functools

import numpy as np
import jax
import jax.numpy as jnp
from jax import lax
from jax.experimental import pallas as pl
from jax.experimental.pallas import tpu as pltpu
from jax.experimental.pallas import tpu_sc as plsc

B = 16
TOTAL = 4096
L_PAD = 512
MAX_SEL = 76
SEL_PROB = 0.15
VOCAB = 30522
MASK_TOKEN = 103
MASK_RATE, RAND_RATE = 0.8, 0.1

NCHUNK = L_PAD // 16
MPAD = 80


def _threefry2x32(k0, k1, x0, x1):
    def rotl(x, d):
        return ((x << np.uint32(d)) | (x >> np.uint32(32 - d))).astype(np.uint32)

    ks0, ks1 = np.uint32(k0), np.uint32(k1)
    ks2 = np.uint32(np.uint32(0x1BD11BDA) ^ ks0 ^ ks1)
    rotations = ((13, 15, 26, 6), (17, 29, 16, 24))
    x0 = (x0 + ks0).astype(np.uint32)
    x1 = (x1 + ks1).astype(np.uint32)
    ks = (ks0, ks1, ks2)
    for d in range(5):
        for r in rotations[d % 2]:
            x0 = (x0 + x1).astype(np.uint32)
            x1 = rotl(x1, r)
            x1 = (x1 ^ x0).astype(np.uint32)
        x0 = (x0 + ks[(d + 1) % 3]).astype(np.uint32)
        x1 = (x1 + ks[(d + 2) % 3] + np.uint32(d + 1)).astype(np.uint32)
    return x0, x1


def _random_bits(keypair, n):
    b1, b2 = _threefry2x32(keypair[0], keypair[1],
                           np.zeros(n, np.uint32), np.arange(n, dtype=np.uint32))
    return b1 ^ b2


def _split_key(keypair, num):
    b1, b2 = _threefry2x32(keypair[0], keypair[1],
                           np.zeros(num, np.uint32), np.arange(num, dtype=np.uint32))
    return [(b1[i], b2[i]) for i in range(num)]


def _np_uniform(keypair, n):
    bits = _random_bits(keypair, n)
    float_bits = (bits >> np.uint32(9)) | np.uint32(0x3F800000)
    return float_bits.view(np.float32) - np.float32(1.0)


def _np_randint(keypair, n, span):
    k1, k2 = _split_key(keypair, 2)
    higher, lower = _random_bits(k1, n), _random_bits(k2, n)
    span = np.uint32(span)
    mult = np.uint32((int(2 ** 16 % int(span)) ** 2) % int(span))
    return (((higher % span) * mult + (lower % span)) % span).astype(np.int32)


def _make_packed_constants() -> np.ndarray:
    n = B * L_PAD
    ksel, kchoice, krand = _split_key((np.uint32(0), np.uint32(42)), 3)
    u = _np_uniform(ksel, n).reshape(B, L_PAD)
    rr = _np_uniform(kchoice, n).reshape(B, L_PAD)
    rand_tok = _np_randint(krand, n, VOCAB).reshape(B, L_PAD)
    selmask = (u < np.float32(SEL_PROB)).astype(np.int32)
    keep = (rr >= np.float32(MASK_RATE + RAND_RATE)).astype(np.int32)
    prechosen = np.where(rr < np.float32(MASK_RATE),
                         np.int32(MASK_TOKEN), rand_tok).astype(np.int32)
    return (prechosen | (keep << 16) | (selmask << 17)).reshape(-1)


_PACKED = _make_packed_constants()


def _build_sc_seq_mask():
    mesh = plsc.VectorSubcoreMesh(core_axis_name="c", subcore_axis_name="s")
    return functools.partial(
        pl.kernel,
        out_type=[
            jax.ShapeDtypeStruct((B, L_PAD), jnp.int32),
            jax.ShapeDtypeStruct((B, MPAD), jnp.int32),
            jax.ShapeDtypeStruct((B, MPAD), jnp.int32),
            jax.ShapeDtypeStruct((B, L_PAD), jnp.int32),
        ],
        mesh=mesh,
        compiler_params=pltpu.CompilerParams(needs_layout_passes=False),
        scratch_types=[
            pltpu.VMEM((TOTAL,), jnp.int32),
            pltpu.VMEM((16,), jnp.int32),
            pltpu.VMEM((L_PAD,), jnp.int32),
            pltpu.VMEM((L_PAD,), jnp.int32),
            pltpu.VMEM((L_PAD,), jnp.int32),
            pltpu.VMEM((MPAD,), jnp.int32),
            pltpu.VMEM((MPAD,), jnp.int32),
            pltpu.SemaphoreType.DMA,
        ],
    )(_sc_seq_mask_body)


def _sc_seq_mask_body(flat_hbm, cu_hbm, packed_hbm,
                 ids_hbm, mpos_hbm, mval_hbm, tt_hbm,
                 flat_v, cu_v, packed_v, ids_v, tt_v, mpos_v, mval_v, sem):
    c = lax.axis_index("c")
    s = lax.axis_index("s")
    wid = s * 2 + c

    @pl.when(wid < B)
    def _():
        r = wid
        h1 = pltpu.async_copy(flat_hbm, flat_v, sem)
        h2 = pltpu.async_copy(cu_hbm.at[pl.ds(0, 16)], cu_v, sem)
        h3 = pltpu.async_copy(packed_hbm.at[pl.ds(r * L_PAD, L_PAD)],
                              packed_v, sem)

        iota = lax.iota(jnp.int32, 16)
        zero = jnp.zeros((16,), jnp.int32)
        for k in range(MPAD // 16):
            mpos_v[pl.ds(16 * k, 16)] = zero
            mval_v[pl.ds(16 * k, 16)] = zero

        h1.wait()
        h2.wait()
        h3.wait()

        rfull = jnp.full((16,), r, jnp.int32)
        start = plsc.load_gather(cu_v, [rfull])
        end = jnp.where(rfull == B - 1, TOTAL,
                        plsc.load_gather(cu_v, [jnp.minimum(rfull + 1, B - 1)]))
        length = end - start
        clamp = jnp.maximum(length - 1, 0)
        nblk = jnp.minimum((length[0] + 15) >> 4, NCHUNK)

        def body(j, carry):
            off = pl.multiple_of(j * 16, 16)
            pos = j * 16 + iota
            idx = start + jnp.minimum(pos, clamp)
            tok = plsc.load_gather(flat_v, [idx])
            valid = pos < length
            padded = jnp.where(valid, tok, 0)
            w = packed_v[pl.ds(off, 16)]
            sel = valid & (padded >= 4) & ((w >> 17) != 0)
            csum = carry + plsc.cumsum(sel.astype(jnp.int32))
            sel_f = sel & (csum <= MAX_SEL)
            chosen = jnp.where((w & (1 << 16)) != 0, padded, w & 0xFFFF)
            ids_v[pl.ds(off, 16)] = jnp.where(sel_f, chosen, padded)
            tt_v[pl.ds(off, 16)] = valid.astype(jnp.int32)
            plsc.store_scatter(mpos_v, [csum - 1], pos, mask=sel_f)
            plsc.store_scatter(mval_v, [csum - 1], padded, mask=sel_f)
            return jnp.full((16,), jnp.max(csum), jnp.int32)

        lax.fori_loop(0, nblk, body, zero)

        def fill(j, carry):
            off = pl.multiple_of(j * 16, 16)
            ids_v[pl.ds(off, 16)] = zero
            tt_v[pl.ds(off, 16)] = zero
            return carry

        lax.fori_loop(nblk, NCHUNK, fill, 0)

        o1 = pltpu.async_copy(ids_v, ids_hbm.at[r], sem)
        o2 = pltpu.async_copy(tt_v, tt_hbm.at[r], sem)
        o3 = pltpu.async_copy(mpos_v, mpos_hbm.at[r], sem)
        o4 = pltpu.async_copy(mval_v, mval_hbm.at[r], sem)
        o1.wait()
        o2.wait()
        o3.wait()
        o4.wait()


_SC_SEQ_MASK = None


def kernel(flat_tokens, cu_seqlens):
    global _SC_SEQ_MASK
    if _SC_SEQ_MASK is None:
        _SC_SEQ_MASK = _build_sc_seq_mask()
    packed = jnp.asarray(_PACKED)
    ids, mpos, mval, tt = _SC_SEQ_MASK(
        flat_tokens.astype(jnp.int32), cu_seqlens.astype(jnp.int32), packed)
    return ids, mpos[:, :MAX_SEL], mval[:, :MAX_SEL], tt

# --- scband reference (transcript-rebuilt; emitter-appended) ---
"""Pipeline reference for scband-sequence-mask-layer-73796128080157 (READ-ONLY COPY).

The authoritative reference and input builder live on the scoring server;
editing this copy changes nothing except your own understanding.
"""

import jax, jax.numpy as jnp
import numpy as np

B = 16
TOTAL = 4096
L_PAD = 512          # SEQUENCE_MAX_LEN + 2
MAX_SEL = 76         # config.MAX_SELECTION
SEL_PROB = 0.15      # config.SELECTION_PROB
VOCAB = 30522        # config.VOCAB_SIZE
PAD_ID, UNK_ID, BOS_ID, EOS_ID = 0, 1, 2, 3
MASK_TOKEN = 103
MASK_RATE, RAND_RATE = 0.8, 0.1


def setup_inputs(seed: int = 0) -> dict:
    key = jax.random.key(seed)
    k1, k2 = jax.random.split(key)
    flat_tokens = jax.random.randint(k1, (TOTAL,), 0, VOCAB, dtype=jnp.int64 if jax.config.jax_enable_x64 else jnp.int32).astype(jnp.int32)
    boundaries = jnp.sort(jax.random.randint(k2, (B - 1,), 1, TOTAL))
    cu_seqlens = jnp.concatenate([jnp.zeros((1,), jnp.int32), boundaries.astype(jnp.int32), jnp.full((1,), TOTAL, jnp.int32)])
    return {"flat_tokens": flat_tokens, "cu_seqlens": cu_seqlens}


def reference(flat_tokens, cu_seqlens):
    # Reconstruct ragged rows and pad to L_PAD (text.pad_model_inputs)
    starts = cu_seqlens[:-1]
    lengths = cu_seqlens[1:] - starts
    pos = jnp.arange(L_PAD, dtype=jnp.int32)
    gather_idx = starts[:, None] + jnp.minimum(pos[None, :], jnp.maximum(lengths - 1, 0)[:, None])
    valid = pos[None, :] < lengths[:, None]
    padded = jnp.where(valid, flat_tokens[gather_idx], PAD_ID)

    # RandomItemSelector: select each selectable token with prob SEL_PROB,
    # capped at MAX_SEL selections per row; special ids are unselectable.
    key = jax.random.key(42)
    ksel, kchoice, krand = jax.random.split(key, 3)
    unselectable = (padded == PAD_ID) | (padded == UNK_ID) | (padded == BOS_ID) | (padded == EOS_ID)
    selectable = valid & (~unselectable)
    u = jax.random.uniform(ksel, (B, L_PAD))
    sel = selectable & (u < SEL_PROB)
    csum = jnp.cumsum(sel.astype(jnp.int32), axis=1)
    sel = sel & (csum <= MAX_SEL)

    # MaskValuesChooser: 80% -> [MASK], 10% -> random token, 10% -> keep
    r = jax.random.uniform(kchoice, (B, L_PAD))
    rand_tok = jax.random.randint(krand, (B, L_PAD), 0, VOCAB, dtype=jnp.int32)
    chosen = jnp.where(r < MASK_RATE, MASK_TOKEN, jnp.where(r < MASK_RATE + RAND_RATE, rand_tok, padded))
    input_ids = jnp.where(sel, chosen, padded)

    # Compact selected positions per row, then pad to MAX_SEL (pad_model_inputs)
    sort_key = jnp.where(sel, pos[None, :], 2 * L_PAD + pos[None, :])
    order = jnp.argsort(sort_key, axis=1)[:, :MAX_SEL].astype(jnp.int32)
    n_sel = jnp.sum(sel, axis=1)
    sel_valid = jnp.arange(MAX_SEL)[None, :] < n_sel[:, None]
    masked_pos = jnp.where(sel_valid, order, PAD_ID)
    masked_values = jnp.where(sel_valid, jnp.take_along_axis(padded, order, axis=1), PAD_ID)

    token_types = valid.astype(jnp.int32)  # pad_model_inputs mask output
    return (input_ids, masked_pos, masked_values, token_types)

if __name__ == "__main__":
    import jax
    _d = setup_inputs()
    print(jax.jit(kernel)(*tuple(_d.values())))

</pallas_src>

<mosaic_0001>
#map = affine_map<(d0, d1) -> (0)>
#map1 = affine_map<(d0, d1) -> (0, 0)>
module attributes {stable_mosaic.version = 14 : i64} {
  func.func @_sc_seq_mask_body(%arg0: i32, %arg1: i32, %arg2: memref<4096xi32, #tpu.memory_space<hbm>>, %arg3: memref<17xi32, #tpu.memory_space<hbm>>, %arg4: memref<8192xi32, #tpu.memory_space<hbm>>, %arg5: memref<16x512xi32, #tpu.memory_space<hbm>>, %arg6: memref<16x80xi32, #tpu.memory_space<hbm>>, %arg7: memref<16x80xi32, #tpu.memory_space<hbm>>, %arg8: memref<16x512xi32, #tpu.memory_space<hbm>>, %arg9: memref<4096xi32, #tpu.memory_space<vmem>>, %arg10: memref<16xi32, #tpu.memory_space<vmem>>, %arg11: memref<512xi32, #tpu.memory_space<vmem>>, %arg12: memref<512xi32, #tpu.memory_space<vmem>>, %arg13: memref<512xi32, #tpu.memory_space<vmem>>, %arg14: memref<80xi32, #tpu.memory_space<vmem>>, %arg15: memref<80xi32, #tpu.memory_space<vmem>>, %arg16: memref<!tpu.dma_semaphore, #tpu.memory_space<semaphore_mem>>) attributes {dimension_semantics = [#tpu.dimension_semantics<core_parallel>, #tpu.dimension_semantics<subcore_parallel>], iteration_bounds = array<i64: 2, 16>, scalar_prefetch = 0 : i64, scratch_operands = 8 : i64, tpu.core_type = #tpu.core_type<sc_vector_subcore>, window_params = [{transform_indices = #map}, {transform_indices = #map}, {transform_indices = #map}, {transform_indices = #map1}, {transform_indices = #map1}, {transform_indices = #map1}, {transform_indices = #map1}]} {
    %mul3A = arith.constant 2 : i32
    %mul3A_0 = arith.muli %arg1, %mul3A : i32
    %add3A = arith.addi %mul3A_0, %arg0 : i32
    %lt3A = arith.constant 16 : i32
    %lt3A_1 = arith.cmpi slt, %add3A, %lt3A : i32
    %convert_element_type3A = arith.extui %lt3A_1 : i1 to i32
    %cond3A = arith.constant 0 : i32
    %cond3A_2 = arith.cmpi ne, %convert_element_type3A, %cond3A : i32
    scf.if %cond3A_2 {
      tpu.enqueue_dma source(%arg2 : memref<4096xi32, #tpu.memory_space<hbm>>) target(%arg9 : memref<4096xi32, #tpu.memory_space<vmem>>) target_semaphore(%arg16 : memref<!tpu.dma_semaphore, #tpu.memory_space<semaphore_mem>>)
      %dma_start3A = arith.constant 0 : i32
      %dma_start3A_3 = tpu.memref_slice %arg3[%dma_start3A] : memref<17xi32, #tpu.memory_space<hbm>> -> memref<16xi32, #tpu.memory_space<hbm>>
      %dma_start3A_4 = arith.constant 0 : i32
      %dma_start3A_5 = tpu.memref_slice %arg3[%dma_start3A_4] : memref<17xi32, #tpu.memory_space<hbm>> -> memref<16xi32, #tpu.memory_space<hbm>>
      tpu.enqueue_dma source(%dma_start3A_5 : memref<16xi32, #tpu.memory_space<hbm>>) target(%arg10 : memref<16xi32, #tpu.memory_space<vmem>>) target_semaphore(%arg16 : memref<!tpu.dma_semaphore, #tpu.memory_space<semaphore_mem>>)
      %mul3A_6 = arith.constant 512 : i32
      %mul3A_7 = arith.muli %add3A, %mul3A_6 : i32
      %dma_start3A_8 = tpu.memref_slice %arg4[%mul3A_7] : memref<8192xi32, #tpu.memory_space<hbm>> -> memref<512xi32, #tpu.memory_space<hbm>>
      %dma_start3A_9 = tpu.memref_slice %arg4[%mul3A_7] : memref<8192xi32, #tpu.memory_space<hbm>> -> memref<512xi32, #tpu.memory_space<hbm>>
      tpu.enqueue_dma source(%dma_start3A_9 : memref<512xi32, #tpu.memory_space<hbm>>) target(%arg11 : memref<512xi32, #tpu.memory_space<vmem>>) target_semaphore(%arg16 : memref<!tpu.dma_semaphore, #tpu.memory_space<semaphore_mem>>)
      %iota3A = tpu.iota {dimensions = array<i32: 0>} : vector<16xi32>
      %broadcast_in_dim3A = arith.constant 0 : i32
      %broadcast_in_dim3A_10 = vector.broadcast %broadcast_in_dim3A : i32 to vector<16xi32>
      %swap3A = arith.constant 0 : index
      %swap3A_11 = tpu.vector_load %arg14[%swap3A] {strides = array<i32>} : memref<80xi32, #tpu.memory_space<vmem>>, vector<16xi32>,
      tpu.vector_store %arg14[%swap3A], %broadcast_in_dim3A_10 {strides = array<i32>} : memref<80xi32, #tpu.memory_space<vmem>>, vector<16xi32>,
      %swap3A_12 = arith.constant 0 : index
      %swap3A_13 = tpu.vector_load %arg15[%swap3A_12] {strides = array<i32>} : memref<80xi32, #tpu.memory_space<vmem>>, vector<16xi32>,
      tpu.vector_store %arg15[%swap3A_12], %broadcast_in_dim3A_10 {strides = array<i32>} : memref<80xi32, #tpu.memory_space<vmem>>, vector<16xi32>,
      %swap3A_14 = arith.constant 16 : index
      %swap3A_15 = tpu.vector_load %arg14[%swap3A_14] {strides = array<i32>} : memref<80xi32, #tpu.memory_space<vmem>>, vector<16xi32>,
      tpu.vector_store %arg14[%swap3A_14], %broadcast_in_dim3A_10 {strides = array<i32>} : memref<80xi32, #tpu.memory_space<vmem>>, vector<16xi32>,
      %swap3A_16 = arith.constant 16 : index
      %swap3A_17 = tpu.vector_load %arg15[%swap3A_16] {strides = array<i32>} : memref<80xi32, #tpu.memory_space<vmem>>, vector<16xi32>,
      tpu.vector_store %arg15[%swap3A_16], %broadcast_in_dim3A_10 {strides = array<i32>} : memref<80xi32, #tpu.memory_space<vmem>>, vector<16xi32>,
      %swap3A_18 = arith.constant 32 : index
      %swap3A_19 = tpu.vector_load %arg14[%swap3A_18] {strides = array<i32>} : memref<80xi32, #tpu.memory_space<vmem>>, vector<16xi32>,
      tpu.vector_store %arg14[%swap3A_18], %broadcast_in_dim3A_10 {strides = array<i32>} : memref<80xi32, #tpu.memory_space<vmem>>, vector<16xi32>,
      %swap3A_20 = arith.constant 32 : index
      %swap3A_21 = tpu.vector_load %arg15[%swap3A_20] {strides = array<i32>} : memref<80xi32, #tpu.memory_space<vmem>>, vector<16xi32>,
      tpu.vector_store %arg15[%swap3A_20], %broadcast_in_dim3A_10 {strides = array<i32>} : memref<80xi32, #tpu.memory_space<vmem>>, vector<16xi32>,
      %swap3A_22 = arith.constant 48 : index
      %swap3A_23 = tpu.vector_load %arg14[%swap3A_22] {strides = array<i32>} : memref<80xi32, #tpu.memory_space<vmem>>, vector<16xi32>,
      tpu.vector_store %arg14[%swap3A_22], %broadcast_in_dim3A_10 {strides = array<i32>} : memref<80xi32, #tpu.memory_space<vmem>>, vector<16xi32>,
      %swap3A_24 = arith.constant 48 : index
      %swap3A_25 = tpu.vector_load %arg15[%swap3A_24] {strides = array<i32>} : memref<80xi32, #tpu.memory_space<vmem>>, vector<16xi32>,
      tpu.vector_store %arg15[%swap3A_24], %broadcast_in_dim3A_10 {strides = array<i32>} : memref<80xi32, #tpu.memory_space<vmem>>, vector<16xi32>,
      %swap3A_26 = arith.constant 64 : index
      %swap3A_27 = tpu.vector_load %arg14[%swap3A_26] {strides = array<i32>} : memref<80xi32, #tpu.memory_space<vmem>>, vector<16xi32>,
      tpu.vector_store %arg14[%swap3A_26], %broadcast_in_dim3A_10 {strides = array<i32>} : memref<80xi32, #tpu.memory_space<vmem>>, vector<16xi32>,
      %swap3A_28 = arith.constant 64 : index
      %swap3A_29 = tpu.vector_load %arg15[%swap3A_28] {strides = array<i32>} : memref<80xi32, #tpu.memory_space<vmem>>, vector<16xi32>,
      tpu.vector_store %arg15[%swap3A_28], %broadcast_in_dim3A_10 {strides = array<i32>} : memref<80xi32, #tpu.memory_space<vmem>>, vector<16xi32>,
      tpu.wait_dma2 semaphore(%arg16 : memref<!tpu.dma_semaphore, #tpu.memory_space<semaphore_mem>>) src(%arg2 : memref<4096xi32, #tpu.memory_space<hbm>>) dst(%arg9 : memref<4096xi32, #tpu.memory_space<vmem>>)
      %dma_wait3A = arith.constant 0 : i32
      %dma_wait3A_30 = tpu.memref_slice %arg3[%dma_wait3A] : memref<17xi32, #tpu.memory_space<hbm>> -> memref<16xi32, #tpu.memory_space<hbm>>
      %dma_wait3A_31 = arith.constant 0 : i32
      %dma_wait3A_32 = tpu.memref_slice %arg3[%dma_wait3A_31] : memref<17xi32, #tpu.memory_space<hbm>> -> memref<16xi32, #tpu.memory_space<hbm>>
      tpu.wait_dma2 semaphore(%arg16 : memref<!tpu.dma_semaphore, #tpu.memory_space<semaphore_mem>>) src(%dma_wait3A_32 : memref<16xi32, #tpu.memory_space<hbm>>) dst(%arg10 : memref<16xi32, #tpu.memory_space<vmem>>)
      %dma_wait3A_33 = tpu.memref_slice %arg4[%mul3A_7] : memref<8192xi32, #tpu.memory_space<hbm>> -> memref<512xi32, #tpu.memory_space<hbm>>
      %dma_wait3A_34 = tpu.memref_slice %arg4[%mul3A_7] : memref<8192xi32, #tpu.memory_space<hbm>> -> memref<512xi32, #tpu.memory_space<hbm>>
      tpu.wait_dma2 semaphore(%arg16 : memref<!tpu.dma_semaphore, #tpu.memory_space<semaphore_mem>>) src(%dma_wait3A_34 : memref<512xi32, #tpu.memory_space<hbm>>) dst(%arg11 : memref<512xi32, #tpu.memory_space<vmem>>)
      %broadcast_in_dim3A_35 = vector.broadcast %add3A : i32 to vector<16xi32>
      %gather3A = tpu.vector_load_idx %arg10[%broadcast_in_dim3A_35] : memref<16xi32, #tpu.memory_space<vmem>>[vector<16xi32>], vector<16xi32>,
      %eq3A = arith.constant 15 : i32
      %eq3A_36 = vector.broadcast %eq3A : i32 to vector<16xi32>
      %eq3A_37 = arith.cmpi eq, %broadcast_in_dim3A_35, %eq3A_36 : vector<16xi32>
      %add3A_38 = arith.constant 1 : i32
      %add3A_39 = vector.broadcast %add3A_38 : i32 to vector<16xi32>
      %add3A_40 = arith.addi %broadcast_in_dim3A_35, %add3A_39 : vector<16xi32>
      %min3A = arith.constant 15 : i32
      %min3A_41 = vector.broadcast %min3A : i32 to vector<16xi32>
      %min3A_42 = arith.minsi %add3A_40, %min3A_41 : vector<16xi32>
      %gather3A_43 = tpu.vector_load_idx %arg10[%min3A_42] : memref<16xi32, #tpu.memory_space<vmem>>[vector<16xi32>], vector<16xi32>,
      %jit3A = arith.constant 4096 : i32
      %broadcast_in_dim3A_44 = vector.broadcast %jit3A : i32 to vector<16xi32>
      %select_n3A = arith.select %eq3A_37, %broadcast_in_dim3A_44, %gather3A_43 : vector<16xi1>, vector<16xi32>
      %sub3A = arith.subi %select_n3A, %gather3A : vector<16xi32>
      %sub3A_45 = arith.constant 1 : i32
      %sub3A_46 = vector.broadcast %sub3A_45 : i32 to vector<16xi32>
      %sub3A_47 = arith.subi %sub3A, %sub3A_46 : vector<16xi32>
      %max3A = arith.constant 0 : i32
      %max3A_48 = vector.broadcast %max3A : i32 to vector<16xi32>
      %max3A_49 = arith.maxsi %sub3A_47, %max3A_48 : vector<16xi32>
      %slice3A = vector.extract_strided_slice %sub3A {offsets = [0], sizes = [1], strides = [1]} : vector<16xi32> to vector<1xi32>
      %squeeze3A = vector.extract %slice3A[0] : i32 from vector<1xi32>
      %add3A_50 = arith.constant 15 : i32
      %add3A_51 = arith.addi %squeeze3A, %add3A_50 : i32
      %shift_right_arithmetic3A = arith.constant 4 : i32
      %shift_right_arithmetic3A_52 = arith.shrsi %add3A_51, %shift_right_arithmetic3A : i32
      %min3A_53 = arith.constant 32 : i32
      %min3A_54 = arith.minsi %shift_right_arithmetic3A_52, %min3A_53 : i32
      %while3A = arith.constant 0 : i32
      %while3A_55 = arith.subi %min3A_54, %while3A : i32
      %while3A_56 = arith.addi %while3A, %while3A_55 : i32
      %while3A_57 = arith.constant 1 : i32
      %while3A_58 = arith.divsi %while3A_55, %while3A_57 : i32
      %while3A_59 = arith.muli %while3A_58, %while3A_57 : i32
      %while3A_60 = arith.addi %while3A, %while3A_59 : i32
      %while3A_61 = arith.constant 1 : i32
      %while3A_62 = scf.for %while3A_123 = %while3A to %while3A_60 step %while3A_61 iter_args(%while3A_124 = %broadcast_in_dim3A_10) -> (vector<16xi32>)  : i32 {
        %mul3A_125 = arith.constant 16 : i32
        %mul3A_126 = arith.muli %while3A_123, %mul3A_125 : i32
        %multiple_of3A = tpu.assume_multiple %mul3A_126, 16 : i32
        %mul3A_127 = arith.constant 16 : i32
        %mul3A_128 = arith.muli %while3A_123, %mul3A_127 : i32
        %add3A_129 = vector.broadcast %mul3A_128 : i32 to vector<16xi32>
        %add3A_130 = arith.addi %add3A_129, %iota3A : vector<16xi32>
        %min3A_131 = arith.minsi %add3A_130, %max3A_49 : vector<16xi32>
        %add3A_132 = arith.addi %gather3A, %min3A_131 : vector<16xi32>
        %gather3A_133 = tpu.vector_load_idx %arg9[%add3A_132] : memref<4096xi32, #tpu.memory_space<vmem>>[vector<16xi32>], vector<16xi32>,
        %lt3A_134 = arith.cmpi slt, %add3A_130, %sub3A : vector<16xi32>
        %jit3A_135 = arith.constant 0 : i32
        %broadcast_in_dim3A_136 = vector.broadcast %jit3A_135 : i32 to vector<16xi32>
        %select_n3A_137 = arith.select %lt3A_134, %gather3A_133, %broadcast_in_dim3A_136 : vector<16xi1>, vector<16xi32>
        %get3A = arith.index_cast %multiple_of3A : i32 to index
        %get3A_138 = tpu.vector_load %arg11[%get3A] {strides = array<i32>} : memref<512xi32, #tpu.memory_space<vmem>>, vector<16xi32>,
        %ge3A = arith.constant 4 : i32
        %ge3A_139 = vector.broadcast %ge3A : i32 to vector<16xi32>
        %ge3A_140 = arith.cmpi sge, %select_n3A_137, %ge3A_139 : vector<16xi32>
        %and3A = arith.andi %lt3A_134, %ge3A_140 : vector<16xi1>
        %shift_right_arithmetic3A_141 = arith.constant 17 : i32
        %shift_right_arithmetic3A_142 = vector.broadcast %shift_right_arithmetic3A_141 : i32 to vector<16xi32>
        %shift_right_arithmetic3A_143 = arith.shrsi %get3A_138, %shift_right_arithmetic3A_142 : vector<16xi32>
        %ne3A = arith.constant 0 : i32
        %ne3A_144 = vector.broadcast %ne3A : i32 to vector<16xi32>
        %ne3A_145 = arith.cmpi ne, %shift_right_arithmetic3A_143, %ne3A_144 : vector<16xi32>
        %and3A_146 = arith.andi %and3A, %ne3A_145 : vector<16xi1>
        %convert_element_type3A_147 = arith.extui %and3A_146 : vector<16xi1> to vector<16xi32>
        %broadcast_in_dim3A_148 = arith.constant true
        %broadcast_in_dim3A_149 = vector.broadcast %broadcast_in_dim3A_148 : i1 to vector<16xi1>
        %masked_cumsum3A = tpu.scan <sum>, %convert_element_type3A_147 masked %broadcast_in_dim3A_149 : vector<16xi32>, vector<16xi1> -> vector<16xi32>
        %add3A_150 = arith.addi %while3A_124, %masked_cumsum3A : vector<16xi32>
        %le3A = arith.constant 76 : i32
        %le3A_151 = vector.broadcast %le3A : i32 to vector<16xi32>
        %le3A_152 = arith.cmpi sle, %add3A_150, %le3A_151 : vector<16xi32>
        %and3A_153 = arith.andi %and3A_146, %le3A_152 : vector<16xi1>
        %and3A_154 = arith.constant 65536 : i32
        %and3A_155 = vector.broadcast %and3A_154 : i32 to vector<16xi32>
        %and3A_156 = arith.andi %get3A_138, %and3A_155 : vector<16xi32>
        %ne3A_157 = arith.constant 0 : i32
        %ne3A_158 = vector.broadcast %ne3A_157 : i32 to vector<16xi32>
        %ne3A_159 = arith.cmpi ne, %and3A_156, %ne3A_158 : vector<16xi32>
        %and3A_160 = arith.constant 65535 : i32
        %and3A_161 = vector.broadcast %and3A_160 : i32 to vector<16xi32>
        %and3A_162 = arith.andi %get3A_138, %and3A_161 : vector<16xi32>
        %select_n3A_163 = arith.select %ne3A_159, %select_n3A_137, %and3A_162 : vector<16xi1>, vector<16xi32>
        %select_n3A_164 = arith.select %and3A_153, %select_n3A_163, %select_n3A_137 : vector<16xi1>, vector<16xi32>
        %swap3A_165 = arith.index_cast %multiple_of3A : i32 to index
        %swap3A_166 = tpu.vector_load %arg12[%swap3A_165] {strides = array<i32>} : memref<512xi32, #tpu.memory_space<vmem>>, vector<16xi32>,
        tpu.vector_store %arg12[%swap3A_165], %select_n3A_164 {strides = array<i32>} : memref<512xi32, #tpu.memory_space<vmem>>, vector<16xi32>,
        %convert_element_type3A_167 = arith.extui %lt3A_134 : vector<16xi1> to vector<16xi32>
        %swap3A_168 = arith.index_cast %multiple_of3A : i32 to index
        %swap3A_169 = tpu.vector_load %arg13[%swap3A_168] {strides = array<i32>} : memref<512xi32, #tpu.memory_space<vmem>>, vector<16xi32>,
        tpu.vector_store %arg13[%swap3A_168], %convert_element_type3A_167 {strides = array<i32>} : memref<512xi32, #tpu.memory_space<vmem>>, vector<16xi32>,
        %sub3A_170 = arith.constant 1 : i32
        %sub3A_171 = vector.broadcast %sub3A_170 : i32 to vector<16xi32>
        %sub3A_172 = arith.subi %add3A_150, %sub3A_171 : vector<16xi32>
        tpu.vector_store_idx %arg14[%sub3A_172], %add3A_130 masked %and3A_153 : memref<80xi32, #tpu.memory_space<vmem>>[vector<16xi32>], vector<16xi32>, vector<16xi1>
        %sub3A_173 = arith.constant 1 : i32
        %sub3A_174 = vector.broadcast %sub3A_173 : i32 to vector<16xi32>
        %sub3A_175 = arith.subi %add3A_150, %sub3A_174 : vector<16xi32>
        tpu.vector_store_idx %arg15[%sub3A_175], %select_n3A_137 masked %and3A_153 : memref<80xi32, #tpu.memory_space<vmem>>[vector<16xi32>], vector<16xi32>, vector<16xi1>
        %reduce_max3A = arith.constant true
        %reduce_max3A_176 = vector.broadcast %reduce_max3A : i1 to vector<16xi1>
        %reduce_max3A_177 = arith.constant -2147483648 : i32
        %reduce_max3A_178 = vector.broadcast %reduce_max3A_177 : i32 to vector<16xi32>
        %reduce_max3A_179 = arith.xori %add3A_150, %reduce_max3A_178 : vector<16xi32>
        %reduce_max3A_180 = tpu.scan <max>, %reduce_max3A_179 masked %reduce_max3A_176 : vector<16xi32>, vector<16xi1> -> vector<16xi32>
        %reduce_max3A_181 = arith.xori %reduce_max3A_180, %reduce_max3A_178 : vector<16xi32>
        %reduce_max3A_182 = vector.extract %reduce_max3A_181[15] : i32 from vector<16xi32>
        %broadcast_in_dim3A_183 = vector.broadcast %reduce_max3A_182 : i32 to vector<16xi32>
        scf.yield %broadcast_in_dim3A_183 : vector<16xi32>
      }
      %while3A_63 = arith.constant 1 : i32
      %while3A_64 = scf.for %while3A_123 = %while3A_60 to %while3A_56 step %while3A_63 iter_args(%while3A_124 = %while3A_62) -> (vector<16xi32>)  : i32 {
        %mul3A_125 = arith.constant 16 : i32
        %mul3A_126 = arith.muli %while3A_123, %mul3A_125 : i32
        %multiple_of3A = tpu.assume_multiple %mul3A_126, 16 : i32
        %mul3A_127 = arith.constant 16 : i32
        %mul3A_128 = arith.muli %while3A_123, %mul3A_127 : i32
        %add3A_129 = vector.broadcast %mul3A_128 : i32 to vector<16xi32>
        %add3A_130 = arith.addi %add3A_129, %iota3A : vector<16xi32>
        %min3A_131 = arith.minsi %add3A_130, %max3A_49 : vector<16xi32>
        %add3A_132 = arith.addi %gather3A, %min3A_131 : vector<16xi32>
        %gather3A_133 = tpu.vector_load_idx %arg9[%add3A_132] : memref<4096xi32, #tpu.memory_space<vmem>>[vector<16xi32>], vector<16xi32>,
        %lt3A_134 = arith.cmpi slt, %add3A_130, %sub3A : vector<16xi32>
        %jit3A_135 = arith.constant 0 : i32
        %broadcast_in_dim3A_136 = vector.broadcast %jit3A_135 : i32 to vector<16xi32>
        %select_n3A_137 = arith.select %lt3A_134, %gather3A_133, %broadcast_in_dim3A_136 : vector<16xi1>, vector<16xi32>
        %get3A = arith.index_cast %multiple_of3A : i32 to index
        %get3A_138 = tpu.vector_load %arg11[%get3A] {strides = array<i32>} : memref<512xi32, #tpu.memory_space<vmem>>, vector<16xi32>,
        %ge3A = arith.constant 4 : i32
        %ge3A_139 = vector.broadcast %ge3A : i32 to vector<16xi32>
        %ge3A_140 = arith.cmpi sge, %select_n3A_137, %ge3A_139 : vector<16xi32>
        %and3A = arith.andi %lt3A_134, %ge3A_140 : vector<16xi1>
        %shift_right_arithmetic3A_141 = arith.constant 17 : i32
        %shift_right_arithmetic3A_142 = vector.broadcast %shift_right_arithmetic3A_141 : i32 to vector<16xi32>
        %shift_right_arithmetic3A_143 = arith.shrsi %get3A_138, %shift_right_arithmetic3A_142 : vector<16xi32>
        %ne3A = arith.constant 0 : i32
        %ne3A_144 = vector.broadcast %ne3A : i32 to vector<16xi32>
        %ne3A_145 = arith.cmpi ne, %shift_right_arithmetic3A_143, %ne3A_144 : vector<16xi32>
        %and3A_146 = arith.andi %and3A, %ne3A_145 : vector<16xi1>
        %convert_element_type3A_147 = arith.extui %and3A_146 : vector<16xi1> to vector<16xi32>
        %broadcast_in_dim3A_148 = arith.constant true
        %broadcast_in_dim3A_149 = vector.broadcast %broadcast_in_dim3A_148 : i1 to vector<16xi1>
        %masked_cumsum3A = tpu.scan <sum>, %convert_element_type3A_147 masked %broadcast_in_dim3A_149 : vector<16xi32>, vector<16xi1> -> vector<16xi32>
        %add3A_150 = arith.addi %while3A_124, %masked_cumsum3A : vector<16xi32>
        %le3A = arith.constant 76 : i32
        %le3A_151 = vector.broadcast %le3A : i32 to vector<16xi32>
        %le3A_152 = arith.cmpi sle, %add3A_150, %le3A_151 : vector<16xi32>
        %and3A_153 = arith.andi %and3A_146, %le3A_152 : vector<16xi1>
        %and3A_154 = arith.constant 65536 : i32
        %and3A_155 = vector.broadcast %and3A_154 : i32 to vector<16xi32>
        %and3A_156 = arith.andi %get3A_138, %and3A_155 : vector<16xi32>
        %ne3A_157 = arith.constant 0 : i32
        %ne3A_158 = vector.broadcast %ne3A_157 : i32 to vector<16xi32>
        %ne3A_159 = arith.cmpi ne, %and3A_156, %ne3A_158 : vector<16xi32>
        %and3A_160 = arith.constant 65535 : i32
        %and3A_161 = vector.broadcast %and3A_160 : i32 to vector<16xi32>
        %and3A_162 = arith.andi %get3A_138, %and3A_161 : vector<16xi32>
        %select_n3A_163 = arith.select %ne3A_159, %select_n3A_137, %and3A_162 : vector<16xi1>, vector<16xi32>
        %select_n3A_164 = arith.select %and3A_153, %select_n3A_163, %select_n3A_137 : vector<16xi1>, vector<16xi32>
        %swap3A_165 = arith.index_cast %multiple_of3A : i32 to index
        %swap3A_166 = tpu.vector_load %arg12[%swap3A_165] {strides = array<i32>} : memref<512xi32, #tpu.memory_space<vmem>>, vector<16xi32>,
        tpu.vector_store %arg12[%swap3A_165], %select_n3A_164 {strides = array<i32>} : memref<512xi32, #tpu.memory_space<vmem>>, vector<16xi32>,
        %convert_element_type3A_167 = arith.extui %lt3A_134 : vector<16xi1> to vector<16xi32>
        %swap3A_168 = arith.index_cast %multiple_of3A : i32 to index
        %swap3A_169 = tpu.vector_load %arg13[%swap3A_168] {strides = array<i32>} : memref<512xi32, #tpu.memory_space<vmem>>, vector<16xi32>,
        tpu.vector_store %arg13[%swap3A_168], %convert_element_type3A_167 {strides = array<i32>} : memref<512xi32, #tpu.memory_space<vmem>>, vector<16xi32>,
        %sub3A_170 = arith.constant 1 : i32
        %sub3A_171 = vector.broadcast %sub3A_170 : i32 to vector<16xi32>
        %sub3A_172 = arith.subi %add3A_150, %sub3A_171 : vector<16xi32>
        tpu.vector_store_idx %arg14[%sub3A_172], %add3A_130 masked %and3A_153 : memref<80xi32, #tpu.memory_space<vmem>>[vector<16xi32>], vector<16xi32>, vector<16xi1>
        %sub3A_173 = arith.constant 1 : i32
        %sub3A_174 = vector.broadcast %sub3A_173 : i32 to vector<16xi32>
        %sub3A_175 = arith.subi %add3A_150, %sub3A_174 : vector<16xi32>
        tpu.vector_store_idx %arg15[%sub3A_175], %select_n3A_137 masked %and3A_153 : memref<80xi32, #tpu.memory_space<vmem>>[vector<16xi32>], vector<16xi32>, vector<16xi1>
        %reduce_max3A = arith.constant true
        %reduce_max3A_176 = vector.broadcast %reduce_max3A : i1 to vector<16xi1>
        %reduce_max3A_177 = arith.constant -2147483648 : i32
        %reduce_max3A_178 = vector.broadcast %reduce_max3A_177 : i32 to vector<16xi32>
        %reduce_max3A_179 = arith.xori %add3A_150, %reduce_max3A_178 : vector<16xi32>
        %reduce_max3A_180 = tpu.scan <max>, %reduce_max3A_179 masked %reduce_max3A_176 : vector<16xi32>, vector<16xi1> -> vector<16xi32>
        %reduce_max3A_181 = arith.xori %reduce_max3A_180, %reduce_max3A_178 : vector<16xi32>
        %reduce_max3A_182 = vector.extract %reduce_max3A_181[15] : i32 from vector<16xi32>
        %broadcast_in_dim3A_183 = vector.broadcast %reduce_max3A_182 : i32 to vector<16xi32>
        scf.yield %broadcast_in_dim3A_183 : vector<16xi32>
      }
      %while3A_65 = arith.constant 0 : i32
      %while3A_66 = arith.constant 32 : i32
      %while3A_67 = arith.subi %while3A_66, %min3A_54 : i32
      %while3A_68 = arith.addi %min3A_54, %while3A_67 : i32
      %while3A_69 = arith.constant 1 : i32
      %while3A_70 = arith.divsi %while3A_67, %while3A_69 : i32
      %while3A_71 = arith.muli %while3A_70, %while3A_69 : i32
      %while3A_72 = arith.addi %min3A_54, %while3A_71 : i32
      %while3A_73 = arith.constant 1 : i32
      scf.for %while3A_123 = %min3A_54 to %while3A_72 step %while3A_73  : i32 {
        %mul3A_124 = arith.constant 16 : i32
        %mul3A_125 = arith.muli %while3A_123, %mul3A_124 : i32
        %multiple_of3A = tpu.assume_multiple %mul3A_125, 16 : i32
        %swap3A_126 = arith.index_cast %multiple_of3A : i32 to index
        %swap3A_127 = tpu.vector_load %arg12[%swap3A_126] {strides = array<i32>} : memref<512xi32, #tpu.memory_space<vmem>>, vector<16xi32>,
        tpu.vector_store %arg12[%swap3A_126], %broadcast_in_dim3A_10 {strides = array<i32>} : memref<512xi32, #tpu.memory_space<vmem>>, vector<16xi32>,
        %swap3A_128 = arith.index_cast %multiple_of3A : i32 to index
        %swap3A_129 = tpu.vector_load %arg13[%swap3A_128] {strides = array<i32>} : memref<512xi32, #tpu.memory_space<vmem>>, vector<16xi32>,
        tpu.vector_store %arg13[%swap3A_128], %broadcast_in_dim3A_10 {strides = array<i32>} : memref<512xi32, #tpu.memory_space<vmem>>, vector<16xi32>,
      }
      %while3A_74 = arith.constant 1 : i32
      scf.for %while3A_123 = %while3A_72 to %while3A_68 step %while3A_74  : i32 {
        %mul3A_124 = arith.constant 16 : i32
        %mul3A_125 = arith.muli %while3A_123, %mul3A_124 : i32
        %multiple_of3A = tpu.assume_multiple %mul3A_125, 16 : i32
        %swap3A_126 = arith.index_cast %multiple_of3A : i32 to index
        %swap3A_127 = tpu.vector_load %arg12[%swap3A_126] {strides = array<i32>} : memref<512xi32, #tpu.memory_space<vmem>>, vector<16xi32>,
        tpu.vector_store %arg12[%swap3A_126], %broadcast_in_dim3A_10 {strides = array<i32>} : memref<512xi32, #tpu.memory_space<vmem>>, vector<16xi32>,
        %swap3A_128 = arith.index_cast %multiple_of3A : i32 to index
        %swap3A_129 = tpu.vector_load %arg13[%swap3A_128] {strides = array<i32>} : memref<512xi32, #tpu.memory_space<vmem>>, vector<16xi32>,
        tpu.vector_store %arg13[%swap3A_128], %broadcast_in_dim3A_10 {strides = array<i32>} : memref<512xi32, #tpu.memory_space<vmem>>, vector<16xi32>,
      }
      %dma_start3A_75 = arith.constant 0 : i32
      %dma_start3A_76 = tpu.memref_slice %arg5[%add3A, %dma_start3A_75] : memref<16x512xi32, #tpu.memory_space<hbm>> -> memref<1x512xi32, #tpu.memory_space<hbm>>
      %dma_start3A_77 = tpu.memref_squeeze %dma_start3A_76 : memref<1x512xi32, #tpu.memory_space<hbm>> -> memref<512xi32, #tpu.memory_space<hbm>>
      %dma_start3A_78 = arith.constant 0 : i32
      %dma_start3A_79 = tpu.memref_slice %arg5[%add3A, %dma_start3A_78] : memref<16x512xi32, #tpu.memory_space<hbm>> -> memref<1x512xi32, #tpu.memory_space<hbm>>
      %dma_start3A_80 = tpu.memref_squeeze %dma_start3A_79 : memref<1x512xi32, #tpu.memory_space<hbm>> -> memref<512xi32, #tpu.memory_space<hbm>>
      tpu.enqueue_dma source(%arg12 : memref<512xi32, #tpu.memory_space<vmem>>) target(%dma_start3A_80 : memref<512xi32, #tpu.memory_space<hbm>>) target_semaphore(%arg16 : memref<!tpu.dma_semaphore, #tpu.memory_space<semaphore_mem>>)
      %dma_start3A_81 = arith.constant 0 : i32
      %dma_start3A_82 = tpu.memref_slice %arg8[%add3A, %dma_start3A_81] : memref<16x512xi32, #tpu.memory_space<hbm>> -> memref<1x512xi32, #tpu.memory_space<hbm>>
      %dma_start3A_83 = tpu.memref_squeeze %dma_start3A_82 : memref<1x512xi32, #tpu.memory_space<hbm>> -> memref<512xi32, #tpu.memory_space<hbm>>
      %dma_start3A_84 = arith.constant 0 : i32
      %dma_start3A_85 = tpu.memref_slice %arg8[%add3A, %dma_start3A_84] : memref<16x512xi32, #tpu.memory_space<hbm>> -> memref<1x512xi32, #tpu.memory_space<hbm>>
      %dma_start3A_86 = tpu.memref_squeeze %dma_start3A_85 : memref<1x512xi32, #tpu.memory_space<hbm>> -> memref<512xi32, #tpu.memory_space<hbm>>
      tpu.enqueue_dma source(%arg13 : memref<512xi32, #tpu.memory_space<vmem>>) target(%dma_start3A_86 : memref<512xi32, #tpu.memory_space<hbm>>) target_semaphore(%arg16 : memref<!tpu.dma_semaphore, #tpu.memory_space<semaphore_mem>>)
      %dma_start3A_87 = arith.constant 0 : i32
      %dma_start3A_88 = tpu.memref_slice %arg6[%add3A, %dma_start3A_87] : memref<16x80xi32, #tpu.memory_space<hbm>> -> memref<1x80xi32, #tpu.memory_space<hbm>>
      %dma_start3A_89 = tpu.memref_squeeze %dma_start3A_88 : memref<1x80xi32, #tpu.memory_space<hbm>> -> memref<80xi32, #tpu.memory_space<hbm>>
      %dma_start3A_90 = arith.constant 0 : i32
      %dma_start3A_91 = tpu.memref_slice %arg6[%add3A, %dma_start3A_90] : memref<16x80xi32, #tpu.memory_space<hbm>> -> memref<1x80xi32, #tpu.memory_space<hbm>>
      %dma_start3A_92 = tpu.memref_squeeze %dma_start3A_91 : memref<1x80xi32, #tpu.memory_space<hbm>> -> memref<80xi32, #tpu.memory_space<hbm>>
      tpu.enqueue_dma source(%arg14 : memref<80xi32, #tpu.memory_space<vmem>>) target(%dma_start3A_92 : memref<80xi32, #tpu.memory_space<hbm>>) target_semaphore(%arg16 : memref<!tpu.dma_semaphore, #tpu.memory_space<semaphore_mem>>)
      %dma_start3A_93 = arith.constant 0 : i32
      %dma_start3A_94 = tpu.memref_slice %arg7[%add3A, %dma_start3A_93] : memref<16x80xi32, #tpu.memory_space<hbm>> -> memref<1x80xi32, #tpu.memory_space<hbm>>
      %dma_start3A_95 = tpu.memref_squeeze %dma_start3A_94 : memref<1x80xi32, #tpu.memory_space<hbm>> -> memref<80xi32, #tpu.memory_space<hbm>>
      %dma_start3A_96 = arith.constant 0 : i32
      %dma_start3A_97 = tpu.memref_slice %arg7[%add3A, %dma_start3A_96] : memref<16x80xi32, #tpu.memory_space<hbm>> -> memref<1x80xi32, #tpu.memory_space<hbm>>
      %dma_start3A_98 = tpu.memref_squeeze %dma_start3A_97 : memref<1x80xi32, #tpu.memory_space<hbm>> -> memref<80xi32, #tpu.memory_space<hbm>>
      tpu.enqueue_dma source(%arg15 : memref<80xi32, #tpu.memory_space<vmem>>) target(%dma_start3A_98 : memref<80xi32, #tpu.memory_space<hbm>>) target_semaphore(%arg16 : memref<!tpu.dma_semaphore, #tpu.memory_space<semaphore_mem>>)
      %dma_wait3A_99 = arith.constant 0 : i32
      %dma_wait3A_100 = tpu.memref_slice %arg5[%add3A, %dma_wait3A_99] : memref<16x512xi32, #tpu.memory_space<hbm>> -> memref<1x512xi32, #tpu.memory_space<hbm>>
      %dma_wait3A_101 = tpu.memref_squeeze %dma_wait3A_100 : memref<1x512xi32, #tpu.memory_space<hbm>> -> memref<512xi32, #tpu.memory_space<hbm>>
      %dma_wait3A_102 = arith.constant 0 : i32
      %dma_wait3A_103 = tpu.memref_slice %arg5[%add3A, %dma_wait3A_102] : memref<16x512xi32, #tpu.memory_space<hbm>> -> memref<1x512xi32, #tpu.memory_space<hbm>>
      %dma_wait3A_104 = tpu.memref_squeeze %dma_wait3A_103 : memref<1x512xi32, #tpu.memory_space<hbm>> -> memref<512xi32, #tpu.memory_space<hbm>>
      tpu.wait_dma2 semaphore(%arg16 : memref<!tpu.dma_semaphore, #tpu.memory_space<semaphore_mem>>) src(%arg12 : memref<512xi32, #tpu.memory_space<vmem>>) dst(%dma_wait3A_104 : memref<512xi32, #tpu.memory_space<hbm>>)
      %dma_wait3A_105 = arith.constant 0 : i32
      %dma_wait3A_106 = tpu.memref_slice %arg8[%add3A, %dma_wait3A_105] : memref<16x512xi32, #tpu.memory_space<hbm>> -> memref<1x512xi32, #tpu.memory_space<hbm>>
      %dma_wait3A_107 = tpu.memref_squeeze %dma_wait3A_106 : memref<1x512xi32, #tpu.memory_space<hbm>> -> memref<512xi32, #tpu.memory_space<hbm>>
      %dma_wait3A_108 = arith.constant 0 : i32
      %dma_wait3A_109 = tpu.memref_slice %arg8[%add3A, %dma_wait3A_108] : memref<16x512xi32, #tpu.memory_space<hbm>> -> memref<1x512xi32, #tpu.memory_space<hbm>>
      %dma_wait3A_110 = tpu.memref_squeeze %dma_wait3A_109 : memref<1x512xi32, #tpu.memory_space<hbm>> -> memref<512xi32, #tpu.memory_space<hbm>>
      tpu.wait_dma2 semaphore(%arg16 : memref<!tpu.dma_semaphore, #tpu.memory_space<semaphore_mem>>) src(%arg13 : memref<512xi32, #tpu.memory_space<vmem>>) dst(%dma_wait3A_110 : memref<512xi32, #tpu.memory_space<hbm>>)
      %dma_wait3A_111 = arith.constant 0 : i32
      %dma_wait3A_112 = tpu.memref_slice %arg6[%add3A, %dma_wait3A_111] : memref<16x80xi32, #tpu.memory_space<hbm>> -> memref<1x80xi32, #tpu.memory_space<hbm>>
      %dma_wait3A_113 = tpu.memref_squeeze %dma_wait3A_112 : memref<1x80xi32, #tpu.memory_space<hbm>> -> memref<80xi32, #tpu.memory_space<hbm>>
      %dma_wait3A_114 = arith.constant 0 : i32
      %dma_wait3A_115 = tpu.memref_slice %arg6[%add3A, %dma_wait3A_114] : memref<16x80xi32, #tpu.memory_space<hbm>> -> memref<1x80xi32, #tpu.memory_space<hbm>>
      %dma_wait3A_116 = tpu.memref_squeeze %dma_wait3A_115 : memref<1x80xi32, #tpu.memory_space<hbm>> -> memref<80xi32, #tpu.memory_space<hbm>>
      tpu.wait_dma2 semaphore(%arg16 : memref<!tpu.dma_semaphore, #tpu.memory_space<semaphore_mem>>) src(%arg14 : memref<80xi32, #tpu.memory_space<vmem>>) dst(%dma_wait3A_116 : memref<80xi32, #tpu.memory_space<hbm>>)
      %dma_wait3A_117 = arith.constant 0 : i32
      %dma_wait3A_118 = tpu.memref_slice %arg7[%add3A, %dma_wait3A_117] : memref<16x80xi32, #tpu.memory_space<hbm>> -> memref<1x80xi32, #tpu.memory_space<hbm>>
      %dma_wait3A_119 = tpu.memref_squeeze %dma_wait3A_118 : memref<1x80xi32, #tpu.memory_space<hbm>> -> memref<80xi32, #tpu.memory_space<hbm>>
      %dma_wait3A_120 = arith.constant 0 : i32
      %dma_wait3A_121 = tpu.memref_slice %arg7[%add3A, %dma_wait3A_120] : memref<16x80xi32, #tpu.memory_space<hbm>> -> memref<1x80xi32, #tpu.memory_space<hbm>>
      %dma_wait3A_122 = tpu.memref_squeeze %dma_wait3A_121 : memref<1x80xi32, #tpu.memory_space<hbm>> -> memref<80xi32, #tpu.memory_space<hbm>>
      tpu.wait_dma2 semaphore(%arg16 : memref<!tpu.dma_semaphore, #tpu.memory_space<semaphore_mem>>) src(%arg15 : memref<80xi32, #tpu.memory_space<vmem>>) dst(%dma_wait3A_122 : memref<80xi32, #tpu.memory_space<hbm>>)
    } else {
    }
    return
  }
}

</mosaic_0001>

<sc_bundles>
// kernel: kernel.3.cloned.1.call-start
scs
__scs_entry_jumppad:
0x0: {  	(pc) =	sbr.rel $0x88, $3  }
0x1: {  	(tag) =	ssettag $0x0;
	lr =	simm.s32 $0x1  }
0x2: {  	[smem:$0x3F9F] =	sst lr;
	_ =	strace $0xD0000000  }
0x3: {  	_ = 	snop  }
0x4: {  	_ = 	snop  }
0x5: {  	_ = 	snop  }
0x6: {  	_ = 	snop  }
0x7: {  	_ = 	snop  }
__scs_overlays_trampoline_lowered:
0x8: {  	[smem:$0x3FAE] =	sst s0  }
0x9: {  	[smem:$0x3FAF] =	sst s1  }
0xa: {  	[smem:$0x3FB0] =	sst s2  }
0xb: {  	[smem:$0x3FB1] =	sst s3  }
0xc: {  	[smem:$0x3FB2] =	sst s4  }
0xd: {  	[smem:$0x3FB3] =	sst s5  }
0xe: {  	[smem:$0x3FB4] =	sst s6  }
0xf: {  	[smem:$0x3FB5] =	sst s7  }
0x10: {  	[smem:$0x3FB6] =	sst s8  }
0x11: {  	[smem:$0x3FB7] =	sst s9;
	s0 =	simm.s32 @!p0 $0x0  }
0x12: {  	s1 =	sld [smem:$0x3F9D];
	s0 =	simm.s32 @p0 $0x1  }
0x13: {  	[smem:$0x3FB8] =	sst s0;
	s0 =	simm.s32 @!p1 $0x0  }
0x14: {  	s2 =	sld [smem:$0x3F9C];
	s0 =	simm.s32 @p1 $0x1  }
0x15: {  	[smem:$0x3FB9] =	sst s0;
	s0 =	simm.s32 @!p2 $0x0  }
0x16: {  	s3 =	sld [smem:$0x3FDB];
	s0 =	simm.s32 @p2 $0x1  }
0x17: {  	s4 =	simm.s32 $0x1BF5;
	[smem:$0x3FBB] =	sst s0  }
0x18: {  	s0 =	sld [smem:$0x3F9E];
	_ =	swait.ge [sflag:s4], $0x0  }
0x19: {  	s7 =	sld [smem:$0x3F9F]  }
0x1a: {  	s8 =	sadd.s32 $0xFFFFE003, lr  }
0x1b: {  	s9 =	sadd.s32 $0xFFFFFEF7, lr;
	s5 =	simm.s32 $0xFFFFFFFF;
	p2 =	slt.u32 s8, $0xFFFFF086  }
0x1c: {  	p1 =	slt.u32 s9, $0xF7A;
	s5 =	simm.s32 @!p2 $0x0  }
0x1d: {  	s5 =	simm.s32 @p1 $0x1;
	p0 =	seq.s32 s7, s2  }
0x1e: {  	s7 =	smul.u32 @!p0 $0xF7A, s2;
	p2 =	seq.s32 @!p0 s5, $0x0  }
0x1f: {  	s9 =	smul.u32 $0xF7A, s1;
	s8 =	simm.s32 @!p0 $0x1BF5;
	p2 =	por !p2, p0  }
0x20: {  	[sflag:s8] =	ssyncset.s32 @!p0 $0xFFFFF086;
	s6 =	sadd.s32 @!p0 s3, s7;
	s7 =	simm.s32 @!p0 $0x108  }
0x21: {  	s3 =	sadd.s32 s3, s9;
	s6 =	sadd.s32 @!p0 $0x88, s6;
	s7 =	simm.s32 @p2 $0x1082  }
0x22: {  	[simem:s7], [sflag:s8] =	dma.local @!p0 [hbm:s6], $0xF7A  }
0x23: {  	s9 =	sor.u32 $0xD0000000, s2;
	s6 =	simm.s32 $0x108;
	_ =	swait.ge @!p0 [sflag:s8], $0x0  }
0x24: {  	s3 =	sadd.s32 $0x88, s3;
	s6 =	simm.s32 @!p1 $0x1082;
	[sflag:s4] =	ssyncset.s32 $0xFFFFF086  }
0x25: {  	[simem:s6], [sflag:s4] =	dma.local [hbm:s3], $0xF7A  }
0x26: {  	[smem:$0x3F9F] =	sst s1;
	(tag) =	ssettag s2;
	_ =	strace s9  }
0x27: {  	s1 =	sld [smem:$0x3FAF]  }
0x28: {  	s2 =	sld [smem:$0x3FB0]  }
0x29: {  	s4 =	sld [smem:$0x3FB2]  }
0x2a: {  	p0 =	seq.s32 s5, $0x0;
	s5 =	sld [smem:$0x3FB3]  }
0x2b: {  	s6 =	sld [smem:$0x3FB4]  }
0x2c: {  	s7 =	sld [smem:$0x3FB5]  }
0x2d: {  	s3 =	simm.s32 $0x108;
	s8 =	sld [smem:$0x3FB6]  }
0x2e: {  	s3 =	simm.s32 @!p0 $0x1082;
	s9 =	sld [smem:$0x3FB7]  }
0x2f: {  	lr =	sadd.s32 s0, s3;
	s0 =	sld [smem:$0x3FAE]  }
0x30: {  	s3 =	sld [smem:$0x3FB1]  }
0x31: {  	[smem:$0x3FBA] =	sst s10  }
0x32: {  	s10 =	sld [smem:$0x3FB8];
	_ =	sdelay $0x3  }
0x33: {  	p0 =	seq.s32 s10, $0x1;
	s10 =	sld [smem:$0x3FBA];
	_ =	sdelay $0x3  }
0x34: {  	[smem:$0x3FBA] =	sst s10  }
0x35: {  	s10 =	sld [smem:$0x3FB9];
	_ =	sdelay $0x3  }
0x36: {  	p1 =	seq.s32 s10, $0x1;
	s10 =	sld [smem:$0x3FBA];
	_ =	sdelay $0x3  }
0x37: {  	[smem:$0x3FBA] =	sst s10  }
0x38: {  	s10 =	sld [smem:$0x3FBB]  }
0x39: {  	_ = 	snop;
	(pc) =	sbr.ind lr, $3  }
0x3a: {  	_ = 	snop  }
0x3b: {  	_ = 	snop  }
0x3c: {  	p2 =	seq.s32 s10, $0x1;
	s10 =	sld [smem:$0x3FBA]  }
0x3d: {  	_ =	shalt  }
0x3e: {  	_ =	shalt  }
0x3f: {  	_ =	shalt  }
0x40: {  	_ =	shalt  }
0x41: {  	_ =	shalt  }
0x42: {  	_ =	shalt  }
0x43: {  	_ =	shalt  }
0x44: {  	_ =	shalt  }
0x45: {  	_ =	shalt  }
0x46: {  	_ =	shalt  }
0x47: {  	_ =	shalt  }
0x48: {  	_ =	shalt  }
0x49: {  	_ =	shalt  }
0x4a: {  	_ =	shalt  }
0x4b: {  	_ =	shalt  }
0x4c: {  	_ =	shalt  }
0x4d: {  	_ =	shalt  }
0x4e: {  	_ =	shalt  }
0x4f: {  	_ =	shalt  }
0x50: {  	_ =	shalt  }
0x51: {  	_ =	shalt  }
0x52: {  	_ =	shalt  }
0x53: {  	_ =	shalt  }
0x54: {  	_ =	shalt  }
0x55: {  	_ =	shalt  }
0x56: {  	_ =	shalt  }
0x57: {  	_ =	shalt  }
0x58: {  	_ =	shalt  }
0x59: {  	_ =	shalt  }
0x5a: {  	_ =	shalt  }
0x5b: {  	_ =	shalt  }
0x5c: {  	_ =	shalt  }
0x5d: {  	_ =	shalt  }
0x5e: {  	_ =	shalt  }
0x5f: {  	_ =	shalt  }
0x60: {  	_ =	shalt  }
0x61: {  	_ =	shalt  }
0x62: {  	_ =	shalt  }
0x63: {  	_ =	shalt  }
0x64: {  	_ =	shalt  }
0x65: {  	_ =	shalt  }
0x66: {  	_ =	shalt  }
0x67: {  	_ =	shalt  }
0x68: {  	_ =	shalt  }
0x69: {  	_ =	shalt  }
0x6a: {  	_ =	shalt  }
0x6b: {  	_ =	shalt  }
0x6c: {  	_ =	shalt  }
0x6d: {  	_ =	shalt  }
0x6e: {  	_ =	shalt  }
0x6f: {  	_ =	shalt  }
0x70: {  	_ =	shalt  }
0x71: {  	_ =	shalt  }
0x72: {  	_ =	shalt  }
0x73: {  	_ =	shalt  }
0x74: {  	_ =	shalt  }
0x75: {  	_ =	shalt  }
0x76: {  	_ =	shalt  }
0x77: {  	_ =	shalt  }
0x78: {  	_ =	shalt  }
0x79: {  	_ =	shalt  }
0x7a: {  	_ =	shalt  }
0x7b: {  	_ =	shalt  }
0x7c: {  	_ =	shalt  }
0x7d: {  	_ =	shalt  }
0x7e: {  	_ =	shalt  }
0x7f: {  	_ =	shalt  }
0x80: {  	_ =	shalt  }
0x81: {  	_ =	shalt  }
0x82: {  	_ =	shalt  }
0x83: {  	_ =	shalt  }
0x84: {  	_ =	shalt  }
0x85: {  	_ =	shalt  }
0x86: {  	_ =	shalt  }
0x87: {  	_ =	shalt  }
.Lfunc_end0:
.L_simem_size_0:
called_computation_lowered:
.L_overlay_start_0:
0x88: {  	s2 =	sld [smem:$0x3FD9]  }
0x89: {  	s3 =	sld [smem:$0x3FFE];
	_ =	sdelay $0x1  }
0x8a: {  	s1 =	srdreg.scid  }
0x8b: {  	s0 =	sand.u32 $0x1, s1  }
0x8c: {  	s14 =	sshll.u32 s0, $0xA;
	s2 =	sadd.s32 s3, s2  }
0x8d: {  	s2 =	sadd.s32 s2, s14  }
0x8e: {  	[smem:$0x3FC6] =	sst s2  }
0x8f: {  	_ = 	snop  }
0x90: {  	s2 =	sld [smem:$0x3FD0];
	_ =	sdelay $0x1  }
0x91: {  	s15 =	sld [smem:$0x3FC9]  }
0x92: {  	s5 =	simm.s32 $0xA;
	s6 =	simm.s32 $0x10;
	s4 =	sld [smem:$0x3FC8]  }
0x93: {  	[smem:s6], [sflag:s5] =	dma.local [hbm:s2], $0x1  }
0x94: {  	_ =	swait.eq [sflag:s5], $0x1  }
0x95: {  	s16 =	sld [smem:$0x10]  }
0x96: {  	s17 =	sld [smem:$0x11];
	[sflag:s5] =	ssyncset.done $0x0  }
0x97: {  	s7 =	sld [smem:$0x12];
	[sflag:s5] =	ssyncadd.s32 $0xFFFFFFFF  }
0x98: {  	s18 =	sld [smem:$0x13];
	(tm) =	ssettm $0x1  }
0x99: {  	s8 =	sld [smem:$0x3FFB];
	_ =	sdelay $0x3  }
0x9a: {  	_ =	strace s8  }
0x9b: {  	s8 =	sld [smem:$0x3FFC];
	_ =	sdelay $0x3  }
0x9c: {  	_ =	strace s8  }
0x9d: {  	s8 =	sld [smem:$0x3FFD];
	_ =	sdelay $0x3  }
0x9e: {  	_ =	strace s8  }
0x9f: {  	_ =	strace $0x8FFFFFFF  }
0xa0: {  	s19 =	sld [smem:$0x3FDB];
	_ =	sdelay $0x1  }
0xa1: {  	s9 =	simm.s32 $_scs_section_size  }
0xa2: {  	s10 =	simm.s32 $_size__tile_overlayer_lowered;
	s11 =	simm.s32 $_tile_overlayer_lowered  }
0xa3: {  	s22 =	simm.s32 $0x1BFF;
	s21 =	sshll.u32 s11, $0x1;
	s8 =	sadd.s32 s9, s19  }
0xa4: {  	s12 =	simm.s32 $0x0;
	s20 =	sshll.u32 s10, $0x1;
	s10 =	sadd.s32 s21, s8  }
0xa5: {  	[timem:s12], [sflag:s22] =	dma.local [hbm:s10], s20  }
0xa6: {  	_ =	swait.ge [sflag:s22], s20  }
0xa7: {  	s9 =	ssub.s32 $0x0, s20;
	[sflag:s22] =	ssyncset.done $0x0  }
0xa8: {  	[sflag:s22] =	ssyncadd.s32 s9;
	_ =	sdelay $0x1  }
0xa9: {  	s23 =	simm.s32 $0x1B8B  }
0xaa: {  	_ =	swait.ge [sflag:s23], $0x1  }
0xab: {  	[sflag:s23] =	ssyncset.done $0x0  }
0xac: {  	s25 =	simm.s32 $0x1B8E;
	s24 =	sld [smem:$0x3FFE];
	[sflag:s23] =	ssyncadd.s32 $0xFFFFFFFF  }
0xad: {  	s26 =	simm.s32 $execute0_lowered;
	[smem:$0x3FD2] =	sst s25  }
0xae: {  	s10 =	sshll.u32 s26, $0x1;
	_ =	strace $0x80000046;
	[dreg:$0x1] =	wrdreg $0xFFFFFFFF  }
0xaf: {  	s28 =	simm.s32 $_size_execute0_lowered;
	s8 =	sadd.s32 s8, s10;
	[dreg:$0x0] =	wrdreg $0x0  }
0xb0: {  	s10 =	sshll.u32 s28, $0x1;
	[dreg:$0x2] =	wrdreg s8  }
0xb1: {  	[dreg:$0x3] =	wrdreg s10  }
0xb2: {  	[dreg:$0x4] =	wrdreg $0xC0  }
0xb3: {  	_ =	task [dreg:s12], $0x5FFFF  }
0xb4: {  	[dreg:$0x1] =	wrdreg $0xFFFFFFFF  }
0xb5: {  	[dreg:$0x0] =	wrdreg $0x60  }
0xb6: {  	[dreg:$0x2] =	wrdreg s15  }
0xb7: {  	[dreg:$0x3] =	wrdreg s4  }
0xb8: {  	[dreg:$0x4] =	wrdreg s24  }
0xb9: {  	[dreg:$0x5] =	wrdreg s16  }
0xba: {  	[dreg:$0x6] =	wrdreg s17  }
0xbb: {  	[dreg:$0x7] =	wrdreg s7  }
0xbc: {  	[dreg:$0x8] =	wrdreg s18  }
0xbd: {  	[dreg:$0x9] =	wrdreg $0x9  }
0xbe: {  	_ =	task.clear_ibuf [dreg:s12], $0xAFFFF;
	_ =	strace $0x90000046  }
0xbf: {  	s29 =	simm.s32 $0x9;
	_ =	strace $0x80000048  }
0xc0: {  	_ =	swait.ge [sflag:s29], $0x1  }
0xc1: {  	[sflag:s29] =	ssyncadd.s32 $0xFFFFFFFF  }
0xc2: {  	_ =	strace $0x90000048  }
0xc3: {  	_ =	sfence  }
0xc4: {  	s30 =	sld [smem:$0x0];
	_ =	sdelay $0x2  }
0xc5: {  	s31 =	sshll.u32 s1, $0xD;
	s1 =	sshrl.u32 s1, $0x2  }
0xc6: {  	s3 =	sand.u32 $0x4000, s31;
	s1 =	sadd.s32 s1, s30  }
0xc7: {  	s0 =	sor.u32 s3, s0;
	s1 =	sshll.u32 s1, $0x11  }
0xc8: {  	s0 =	sor.u32 s1, s0  }
0xc9: {  	s0 =	sadd.s32 $0x8F2B, s0  }
0xca: {  	[sflag:s0] =	ssyncadd.remote.s32 $0x1  }
0xcb: {  	_ =	sfence.sel $0xFFFF  }
0xcc: {  	[dreg:$0x0] =	wrdreg $0xFFFFFFFF;
	(pc) =	sbr.abs _section_cstart, $3  }
0xcd: {  	[dreg:$0x1] =	wrdreg $0xFFFFFFFF  }
0xce: {  	_ =	task.clear_ibuf [dreg:s12], $0x2FFFF;
	_ =	strace $0x9FFFFFFF  }
0xcf: {  	(tm) =	ssettm $0x7FFFFFFF  }
tec
execute0_lowered:
.L_overlay_start_1:
0x0: {  	(tag) =	ssettag $0x1  }
0x1: {  	s0 =	rddreg [dreg:$0x0]  }
0x2: {  	s2 =	rddreg [dreg:$0x1]  }
0x3: {  	s9 =	rddreg [dreg:$0x2];
	s3 =	stileid.u32  }
0x4: {  	s5 =	rddreg [dreg:$0x3];
	p0 =	sgt.u32 s3, $0x7  }
.Ltmp0:
0x5: {  	s7 =	rddreg [dreg:$0x4];
	(pc) =	sbr.rel @p0 .LBB2_9-.Ltmp0, $4  }
0x6: {  	s8 =	rddreg [dreg:$0x5]  }
0x7: {  	s6 =	rddreg [dreg:$0x6];
	s4 =	simm.s32 $0x0  }
0x8: {  	[smem:$0x7FF] =	sst s4  }
0x9: {  	s1 =	rddreg [dreg:$0x7];
	_ =	strace $0x80000047  }
0xa: {  	s10 =	srdreg.scid  }
0xb: {  	s11 =	sshll.u32 s3, $0x1;
	s12 =	sshrl.u32 s3, $0x2;
	s9 =	sadd.s32 $0x800, s9  }
0xc: {  	s15 =	simm.s32 $0x80;
	s16 =	simm.s32 $0x400;
	s17 =	simm.s32 $0x1280  }
0xd: {  	s18 =	simm.s32 $0x1480;
	s19 =	simm.s32 $0x0;
	s10 =	sand.u32 $0x1, s10  }
0xe: {  	s14 =	sshll.u32 s12, $0xC;
	s11 =	sor.u32 s10, s11;
	s10 =	ssub.s32 $0x2, s10  }
0xf: {  	s12 =	sshll.u32 s12, $0xA;
	s13 =	sshll.u32 s11, $0x7;
	s30 =	sshrl.u32 s10, $0x1  }
0x10: {  	s31 =	sshll.u32 s11, $0x6;
	v0 =	vmov s11;
	s11 =	simm.s32 $0x1000;
	s13 =	sand.u32 $0x380, s13  }
.Ltmp1:
0x11: {  	s10 =	ssub.s32 s10, s30;
	s9 =	sadd.s32 s9, s31;
	(pc) =	sbr.rel .LBB2_2-.Ltmp1, $4  }
0x12: {  	s14 =	sor.u32 s14, s13;
	s12 =	sor.u32 s12, s13;
	s10 =	smax.u32 s10, $0x1  }
0x13: {  	s13 =	simm.s32 $0x1680;
	s14 =	sshrl.u32 s14, $0x3;
	s12 =	sshrl.u32 s12, $0x3  }
0x14: {  	v2 =	vlaneseq.u32;
	v1 =	vmin.u32 v0, $0xE;
	s5 =	sadd.s32 s5, s14;
	s6 =	sadd.s32 s6, s14;
	s7 =	sadd.s32 s7, s12  }
0x15: {  	v3 =	vimm.s32 $0x0;
	vm0 =	veq.s32 v0, $0xF;
	v1 =	vadd.s32 $0x1, v1;
	s8 =	sadd.s32 s8, s12;
	s12 =	simm.s32 $0x1;
	s14 =	simm.s32 $0x1700  }
.LBB2_8:
0x16: {  	[hbm4b:s5+s15] =	stream.strided.scatter [tilespmem:s17], [sflag:$0x1], $0x200, s16, s15, $0x38;
	[tilespmem:$0x1780] =	vst v63  }
0x17: {  	_ = 	snop  }
0x18: {  	[hbm4b:s6+s15] =	stream.strided.scatter [tilespmem:s18], [sflag:$0x1], $0x200, s16, s15, $0x38;
	[tilespmem:$0x1780] =	vst v63  }
0x19: {  	_ = 	snop  }
0x1a: {  	[hbm4b:s7+s4] =	stream.linear.scatter [tilespmem:s13], [sflag:$0x1], $0x80, $0x38;
	[tilespmem:$0x1780] =	vst v63  }
0x1b: {  	_ = 	snop  }
0x1c: {  	[hbm4b:s8+s4] =	stream.linear.scatter [tilespmem:s14], [sflag:$0x1], $0x80, $0x38;
	[tilespmem:$0x1780] =	vst v63  }
0x1d: {  	_ =	swait.ge [sflag:s12], $0x200  }
0x1e: {  	[sflag:s12] =	ssyncset.done $0x0  }
0x1f: {  	[sflag:s12] =	ssyncadd.s32 $0xFFFFFE00  }
0x20: {  	_ =	swait.ge [sflag:s12], $0x200  }
0x21: {  	[sflag:s12] =	ssyncset.done $0x0  }
0x22: {  	s19 =	sadd.s32 $0x1, s19;
	[sflag:s12] =	ssyncadd.s32 $0xFFFFFE00  }
0x23: {  	p0 =	sne.s32 s19, s10;
	_ =	swait.ge [sflag:s12], $0x80  }
.Ltmp2:
0x24: {  	[sflag:s12] =	ssyncset.done $0x0;
	(pc) =	sbr.rel @!p0 .LBB2_9-.Ltmp2, $4  }
0x25: {  	[sflag:s12] =	ssyncadd.s32 $0xFFFFFF80  }
0x26: {  	_ =	swait.ge [sflag:s12], $0x80  }
0x27: {  	[sflag:s12] =	ssyncset.done $0x0  }
0x28: {  	[sflag:s12] =	ssyncadd.s32 $0xFFFFFF80  }
.LBB2_2:
0x29: {  	s23 =	simm.s32 $0x0  }
0x2a: {  	[tilespmem:s23], [sflag:$0x1] =	stream.linear.gather [hbm4b:s0+s23], $0x1000, $0x38;
	[tilespmem:$0x1780] =	vst v63  }
0x2b: {  	_ = 	snop  }
0x2c: {  	[tilespmem:s11], [sflag:$0x1] =	stream.linear.gather [hbm4b:s2+s23], $0x10, $0x38;
	[tilespmem:$0x1780] =	vst v63  }
0x2d: {  	s22 =	simm.s32 $0x1080  }
0x2e: {  	[tilespmem:s22], [sflag:$0x1] =	stream.linear.gather [hbm4b:s9+s23], $0x200, $0x38;
	[tilespmem:$0x1780] =	vst v63  }
0x2f: {  	[tilespmem:$0x1680] =	vst v3  }
0x30: {  	[tilespmem:$0x1700] =	vst v3  }
0x31: {  	[tilespmem:$0x1690] =	vst v3  }
0x32: {  	[tilespmem:$0x1710] =	vst v3  }
0x33: {  	[tilespmem:$0x16A0] =	vst v3  }
0x34: {  	[tilespmem:$0x1720] =	vst v3  }
0x35: {  	[tilespmem:$0x16B0] =	vst v3  }
0x36: {  	[tilespmem:$0x1730] =	vst v3  }
0x37: {  	[tilespmem:$0x16C0] =	vst v3  }
0x38: {  	[tilespmem:$0x1740] =	vst v3  }
0x39: {  	_ =	swait.ge [sflag:s12], $0x1000  }
0x3a: {  	[sflag:s12] =	ssyncset.done $0x0  }
0x3b: {  	[sflag:s12] =	ssyncadd.s32 $0xFFFFF000  }
0x3c: {  	_ =	swait.ge [sflag:s12], $0x10  }
0x3d: {  	[sflag:s12] =	ssyncset.done $0x0  }
0x3e: {  	[sflag:s12] =	ssyncadd.s32 $0xFFFFFFF0  }
0x3f: {  	_ =	swait.ge [sflag:s12], $0x200  }
0x40: {  	[sflag:s12] =	ssyncset.done $0x0  }
0x41: {  	[sflag:s12] =	ssyncadd.s32 $0xFFFFFE00  }
0x42: {  	v5 =	vld.idx.msk [tilespmem:v1+s11+$0x0], $0xffff  }
0x43: {  	v4 =	vld.idx.msk [tilespmem:v0+s11+$0x0], $0xffff;
	_ =	sdelay $0x3  }
0x44: {  	v5 =	vsel vm0, $0x1000, v5  }
0x45: {  	v5 =	vsub.s32 v5, v4  }
0x46: {  	(v2sf) =	vpush v5, $0x0;
	_ =	sdelay $0xe  }
0x47: {  	s20 =	spop (v2sf)  }
0x48: {  	s20 =	sadd.s32 $0xF, s20  }
0x49: {  	s21 =	sshra.s32 s20, $0x4  }
0x4a: {  	p1 =	sgt.s32 s21, $0x0  }
.Ltmp3:
0x4b: {  	_ = 	snop;
	(pc) =	sbr.rel @!p1 .LBB2_6-.Ltmp3, $3  }
0x4c: {  	_ =	sdelay $0x1  }
0x4d: {  	p0 =	slt.s32 s21, $0x20;
	s20 =	smov.u32 s21  }
0x4e: {  	s20 =	simm.s32 @!p0 $0x20  }
0x4f: {  	v6 =	vadd.s32 $0xFFFFFFFF, v5  }
0x50: {  	vm1 =	vgt.s32 v6, $0x0  }
0x51: {  	v11 =	vor.u32 s23, v2;
	v7 =	vnsel vm1, $0x0, v6  }
0x52: {  	vm1 =	vlt.s32 v11, v7  }
0x53: {  	v6 =	vsel vm1, v11, v7  }
0x54: {  	v6 =	vadd.s32 v4, v6;
	_ =	sdelay $0x4  }
0x55: {  	v6 =	vld.idx.msk [tilespmem:v6+s4+$0x0], $0xffff  }
0x56: {  	v9 =	vld [tilespmem:s22+$0x0];
	_ =	sdelay $0x2  }
0x57: {  	vm1 =	vlt.s32 v11, v5  }
0x58: {  	p1 =	seq.s32 s20, $0x1;
	v6 =	vnsel vm1, $0x0, v6  }
.Ltmp4:
0x59: {  	vm3 =	vgt.u32 v9, $0x1FFFF;
	vm2 =	vgt.s32 v6, $0x3;
	(pc) =	sbr.rel @p1 .LBB2_4-.Ltmp4, $4  }
0x5a: {  	vm2 =	vmand vm2, vm3  }
0x5b: {  	vm2 =	vmand vm1, vm2  }
0x5c: {  	v8 =	vsel vm2, $0x1, v3  }
0x5d: {  	s23 =	sadd.s32 $0xFFFFFFFF, s20;
	p0 =	por $0x0, $0x0;
	v10 =	vand.u32 $0x10000, v9;
	(xrf0) =	vadd.scan.msk.s32 $0xffff, v8  }
0x5e: {  	_ =	sdelay $0x4  }
0x5f: {  	v8, _, _ =	vpop (xrf0)  }
0x60: {  	v12 =	vadd.s32 v3, v8  }
0x61: {  	v8 =	vxor.u32 $0x80000000, v12  }
0x62: {  	(xrf0) =	vmax.scan.msk.u32 $0xffff, v8;
	_ =	sdelay $0x3  }
0x63: {  	s22 =	simm.s32 $0x10;
	vm3 =	vlt.s32 v12, $0x4D  }
0x64: {  	v9 =	vand.u32 $0xFFFF, v9;
	v8 =	vor.u32 s22, v2;
	vm2 =	vmand vm2, vm3  }
0x65: {  	v12 =	vadd.s32 $0xFFFFFFFF, v12;
	vm3 =	veq.s32 v10, $0x0;
	vm4 =	vlt.s32 v8, v7;
	v10, _, _ =	vpop (xrf0)  }
0x66: {  	vm3 =	vmand vm2, vm3;
	(v2sf) =	vpush v10, $0xF;
	v10 =	vsel vm4, v8, v7  }
0x67: {  	v9 =	vsel vm3, v9, v6;
	v10 =	vadd.s32 v4, v10  }
0x68: {  	[tilespmem:s17+$0x0] =	vst v9;
	v9 =	vsel vm1, $0x1, v3  }
0x69: {  	[tilespmem:s18+$0x0] =	vst v9  }
0x6a: {  	[tilespmem:v12+s13+$0x0] =	vst.idx.msk vm2, v11  }
0x6b: {  	[tilespmem:v12+s14+$0x0] =	vst.idx.msk vm2, v6  }
0x6c: {  	s25 =	simm.s32 $0x1090;
	v6 =	vld.idx.msk [tilespmem:v10+s4+$0x0], $0xffff  }
0x6d: {  	v9 =	vld [tilespmem:s25+$0x0];
	_ =	sdelay $0x2  }
0x6e: {  	vm1 =	vlt.s32 v8, v5  }
0x6f: {  	v6 =	vnsel vm1, $0x0, v6  }
0x70: {  	vm3 =	vgt.u32 v9, $0x1FFFF;
	vm2 =	vgt.s32 v6, $0x3  }
0x71: {  	vm2 =	vmand vm2, vm3  }
0x72: {  	vm2 =	vmand vm1, vm2  }
0x73: {  	p1 =	seq.s32 s23, $0x1;
	v11 =	vsel vm2, $0x1, v3  }
.Ltmp5:
0x74: {  	(xrf0) =	vadd.scan.msk.s32 $0xffff, v11;
	(pc) =	sbr.rel @p1 .LBB2_11-.Ltmp5, $3  }
0x75: {  	_ =	sdelay $0x1  }
0x76: {  	s26 =	sadd.s32 $0xFFFFFFFF, s23;
	p0 =	por $0x1, $0x1;
	s24 =	spop (v2sf)  }
0x77: {  	s23 =	simm.s32 $0x1480;
	v10 =	vand.u32 $0x10000, v9;
	s28 =	sxor.u32 $0x80000000, s24;
	s24 =	simm.s32 $0x1280  }
.LBB2_12:
0x78: {  	p1 =	seq.s32 s26, $0x1;
	v11 =	vmov s28;
	s24 =	sadd.s32 $0x10, s24;
	s23 =	sadd.s32 $0x10, s23  }
0x79: {  	s26 =	sadd.s32 $0xFFFFFFFF, s26;
	v12, _, _ =	vpop (xrf0)  }
0x7a: {  	v11 =	vadd.s32 v11, v12  }
0x7b: {  	v9 =	vand.u32 $0xFFFF, v9;
	s22 =	sadd.s32 $0x10, s22;
	vm3 =	vlt.s32 v11, $0x4D;
	v12 =	vxor.u32 $0x80000000, v11  }
0x7c: {  	v13 =	vor.u32 s22, v2;
	vm2 =	vmand vm2, vm3;
	vm3 =	veq.s32 v10, $0x0;
	(xrf0) =	vmax.scan.msk.u32 $0xffff, v12  }
0x7d: {  	vm4 =	vlt.s32 v13, v7;
	v10 =	vadd.s32 $0xFFFFFFFF, v11;
	vm3 =	vmand vm2, vm3  }
0x7e: {  	v11 =	vsel vm4, v13, v7;
	v9 =	vsel vm3, v9, v6  }
0x7f: {  	v11 =	vadd.s32 v4, v11  }
0x80: {  	v12 =	vsel vm1, $0x1, v3;
	[tilespmem:s24+$0x0] =	vst v9  }
0x81: {  	[tilespmem:s23+$0x0] =	vst v12  }
0x82: {  	[tilespmem:v10+s13+$0x0] =	vst.idx.msk vm2, v8;
	v9, _, _ =	vpop (xrf0);
	v8 =	vmov v13  }
0x83: {  	[tilespmem:v10+s14+$0x0] =	vst.idx.msk vm2, v6;
	(v2sf) =	vpush v9, $0xF  }
0x84: {  	v6 =	vld.idx.msk [tilespmem:v11+s4+$0x0], $0xffff  }
0x85: {  	s25 =	sadd.s32 $0x10, s25  }
0x86: {  	v9 =	vld [tilespmem:s25+$0x0];
	_ =	sdelay $0x2  }
0x87: {  	vm1 =	vlt.s32 v8, v5  }
0x88: {  	v6 =	vnsel vm1, $0x0, v6  }
0x89: {  	vm2 =	vgt.s32 v6, $0x3;
	vm3 =	vgt.u32 v9, $0x1FFFF;
	v10 =	vand.u32 $0x10000, v9  }
0x8a: {  	vm2 =	vmand vm2, vm3  }
0x8b: {  	vm2 =	vmand vm1, vm2  }
0x8c: {  	v11 =	vsel vm2, $0x1, v3  }
.Ltmp6:
0x8d: {  	(xrf0) =	vadd.scan.msk.s32 $0xffff, v11;
	(pc) =	sbr.rel @!p1 .LBB2_12-.Ltmp6, $3  }
0x8e: {  	_ =	sdelay $0x1  }
0x8f: {  	s28 =	spop (v2sf)  }
0x90: {  	s28 =	sxor.u32 $0x80000000, s28  }
0x91: {  	v11 =	vmov v8  }
.LBB2_14:
0x92: {  	v4 =	vmov @p0 s28  }
0x93: {  	v5, _, _ =	vpop (xrf0);
	v4 =	vpsel p0, v4, v3  }
0x94: {  	v4 =	vadd.s32 v4, v5  }
0x95: {  	v5 =	vxor.u32 $0x80000000, v4  }
0x96: {  	(xrf0) =	vmax.scan.msk.u32 $0xffff, v5;
	_ =	sdelay $0x5  }
0x97: {  	v5, _, _ =	vpop (xrf0)  }
0x98: {  	(v2sf) =	vpush v5, $0xF;
	_ =	sdelay $0x6  }
0x99: {  	vm3 =	vlt.s32 v4, $0x4D  }
0x9a: {  	vm2 =	vmand vm2, vm3  }
0x9b: {  	v4 =	vadd.s32 $0xFFFFFFFF, v4;
	vm3 =	veq.s32 v10, $0x0  }
0x9c: {  	s22 =	sadd.s32 @p0 $0x10, s24;
	s24 =	simm.s32 $0x1280;
	vm3 =	vmand vm2, vm3;
	v5 =	vand.u32 $0xFFFF, v9  }
0x9d: {  	s23 =	sadd.s32 @p0 $0x10, s23;
	s24 =	smov.u32 @p0 s22;
	s22 =	simm.s32 $0x1480;
	v5 =	vsel vm3, v5, v6  }
0x9e: {  	s22 =	smov.u32 @p0 s23;
	[tilespmem:s24+$0x0] =	vst v5;
	v5 =	vsel vm1, $0x1, v3  }
0x9f: {  	[tilespmem:s22+$0x0] =	vst v5  }
0xa0: {  	[tilespmem:v4+s13+$0x0] =	vst.idx.msk vm2, v11  }
0xa1: {  	[tilespmem:v4+s14+$0x0] =	vst.idx.msk vm2, v6;
	s31 =	spop (v2sf)  }
0xa2: {  	p0 =	sgt.u32 s21, $0x1F  }
.Ltmp7:
0xa3: {  	_ = 	snop;
	(pc) =	sbr.rel @p0 .LBB2_8-.Ltmp7, $1  }
0xa4: {  	_ =	sdelay $0x3  }
.LBB2_6:
0xa5: {  	s31 =	ssub.s32 $0x20, s20  }
0xa6: {  	p0 =	sne.s32 s31, $0x1  }
.Ltmp8:
0xa7: {  	s21 =	sshll.u32 s20, $0x6;
	(pc) =	sbr.rel @!p0 .LBB2_8-.Ltmp8, $4  }
0xa8: {  	s23 =	sshra.s32 s21, $0x2  }
0xa9: {  	s22 =	sadd.s32 $0x1280, s23  }
0xaa: {  	s20 =	sadd.s32 $0x1480, s23;
	[tilespmem:s22+$0x0] =	vst v3  }
0xab: {  	s21 =	sadd.s32 $0xFFFFFFFF, s31;
	s22 =	sadd.s32 $0x10, s22;
	[tilespmem:s20+$0x0] =	vst v3  }
.LBB2_7:
0xac: {  	[tilespmem:s22+$0x0] =	vst v3;
	s20 =	sadd.s32 $0x10, s20;
	p0 =	sne.s32 s21, $0x1  }
.Ltmp9:
0xad: {  	s21 =	sadd.s32 $0xFFFFFFFF, s21;
	[tilespmem:s20+$0x0] =	vst v3;
	(pc) =	sbr.rel @p0 .LBB2_7-.Ltmp9, $2  }
0xae: {  	_ =	sdelay $0x2  }
0xaf: {  	s22 =	sadd.s32 $0x10, s22  }
.Ltmp10:
0xb0: {  	_ = 	snop;
	(pc) =	sbr.rel .LBB2_8-.Ltmp10, $1  }
0xb1: {  	_ =	sdelay $0x3  }
.LBB2_4:
.Ltmp11:
0xb2: {  	(pc) =	sbr.rel .LBB2_14-.Ltmp11, $2  }
0xb3: {  	_ =	sdelay $0x2  }
0xb4: {  	s24 =	simm.s32 $0x1280;
	s23 =	simm.s32 $0x1480  }
.LBB2_11:
.Ltmp12:
0xb5: {  	(pc) =	sbr.rel .LBB2_14-.Ltmp12, $2  }
0xb6: {  	_ =	sdelay $0x2  }
0xb7: {  	s24 =	simm.s32 $0x1280;
	s23 =	simm.s32 $0x1480;
	v11 =	vmov v8  }
.LBB2_9:
0xb8: {  	_ =	sfence.sel $0x180000  }
0xb9: {  	[bflag:$0x0] =	sbarrier.arrive $0xFFFF  }
0xba: {  	p0 =	sne.s32 s3, $0x0;
	_ =	strace $0x90000047  }
0xbb: {  	s0 =	sadd.s32 @!p0 $0x100000, s1;
	[bflag:$0x2] =	sbarrier.arrive $0xFFFF  }
0xbc: {  	[sflag:s0] =	ssyncadd.tile.s32 @!p0 $0x1;
	_ =	shalt  }
.Lfunc_end2:
_tile_overlayer_lowered:
.L_overlay_start_2:
0xbd: {  	(tag) =	ssettag $0x2  }
0xbe: {  	s0 =	rddreg [dreg:$0x0];
	s2 =	stileid.u32  }
0xbf: {  	s1 =	rddreg [dreg:$0x1];
	p0 =	sne.s32 s2, $0x0  }
0xc0: {  	s3 =	rddreg [dreg:$0x2];
	[bflag:$0x3] =	sbarrier.arrive $0xFFFF;
	s2 =	simm.s32 @!p0 $0x1C02  }
0xc1: {  	[timem:s3], [sflag:s2] =	dma.local @!p0 [hbm:s0], s1  }
0xc2: {  	s0 =	simm.s32 @!p0 $0x2  }
0xc3: {  	_ =	swait.ge @!p0 [sflag:s0], s1  }
0xc4: {  	s1 =	ssub.s32 @!p0 $0x0, s1;
	[sflag:s0] =	ssyncset.done @!p0 $0x0  }
0xc5: {  	[sflag:s0] =	ssyncadd.s32 @!p0 s1  }
0xc6: {  	[bflag:$0x3] =	sbarrier.arrive $0xFFFF  }
0xc7: {  	_ =	shalt  }

</sc_bundles>
